<compile_context>
chip_gen: v7x
topology: tpu7x:2x2x1
jax: 0.10.2.dev20260603
libtpu: 0.0.44.dev20260713+nightly
codegen_flags: <defaults>
</compile_context>

<pallas_src>
import functools

import jax
import jax.numpy as jnp
from jax import lax
from jax.experimental import pallas as pl
from jax.experimental.pallas import tpu as pltpu
from jax.experimental.pallas import tpu_sc as plsc

EMB = 128
VOCAB = 84
NUM_ROWS = 16384 * 200
NUM_WORKERS = 32
ROWS_PER_WORKER = NUM_ROWS // NUM_WORKERS
NBUF = 2
CHUNK = 400
STEPS = ROWS_PER_WORKER // CHUNK
JB = STEPS // NBUF


def _sc_body(idx_hbm, table_hbm, out_hbm, table_sp, *bufs):
    idx = bufs[0:NBUF]
    rows = bufs[NBUF:2 * NBUF]
    isem = bufs[2 * NBUF:3 * NBUF]
    gsem = bufs[3 * NBUF:4 * NBUF]
    ssem = bufs[4 * NBUF:5 * NBUF]

    sid = lax.axis_index("s")
    wid = sid * 2 + lax.axis_index("c")
    base = wid * ROWS_PER_WORKER

    @pl.when(sid == 0)
    def _stage():
        pltpu.sync_copy(table_hbm, rows[0].at[pl.ds(0, VOCAB)])
        pltpu.sync_copy(rows[0].at[pl.ds(0, VOCAB)], table_sp)

    plsc.subcore_barrier()

    def idx_start(i, s):
        pltpu.async_copy(idx_hbm.at[pl.ds(base + i * CHUNK, CHUNK)],
                         idx[s], isem[s])

    def idx_wait(s):
        pltpu.make_async_copy(idx_hbm.at[pl.ds(0, CHUNK)], idx[s], isem[s]).wait()

    def gather_start(s):
        pltpu.async_copy(table_sp.at[idx[s]], rows[s], gsem[s])

    def gather_wait(s):
        pltpu.make_async_copy(table_sp.at[idx[s]], rows[s], gsem[s]).wait()

    def store_start(i, s):
        pltpu.async_copy(rows[s], out_hbm.at[pl.ds(base + i * CHUNK, CHUNK)],
                         ssem[s])

    def store_wait(s):
        pltpu.make_async_copy(rows[s], out_hbm.at[pl.ds(0, CHUNK)], ssem[s]).wait()

    for s in range(NBUF):
        idx_start(s, s)
    idx_wait(0)
    gather_start(0)

    def block(jb, carry):
        i0 = NBUF * jb
        for s in range(NBUF):
            gather_wait(s)
            store_start(i0 + s, s)

            @pl.when(jb < JB - 1)
            def _():
                idx_start(i0 + s + NBUF, s)

            s1 = (s + 1) % NBUF
            if s < NBUF - 1:
                idx_wait(s1)

                @pl.when(jb >= 1)
                def _():
                    store_wait(s1)

                gather_start(s1)
            else:
                @pl.when(jb < JB - 1)
                def _():
                    idx_wait(s1)
                    store_wait(s1)
                    gather_start(s1)

        return carry

    lax.fori_loop(0, JB, block, 0)

    for s in range(NBUF):
        store_wait(s)


_sc_gather = functools.partial(
    pl.kernel,
    mesh=plsc.VectorSubcoreMesh(core_axis_name="c", subcore_axis_name="s"),
    out_type=jax.ShapeDtypeStruct((NUM_ROWS, EMB), jnp.float32),
    compiler_params=pltpu.CompilerParams(
        disable_bounds_checks=True, disable_semaphore_checks=True),
    scratch_types=(
        [pltpu.VMEM_SHARED((VOCAB, EMB), jnp.float32)]
        + [pltpu.VMEM((CHUNK,), jnp.int32) for _ in range(NBUF)]
        + [pltpu.VMEM((CHUNK, EMB), jnp.float32) for _ in range(NBUF)]
        + [pltpu.SemaphoreType.DMA for _ in range(3 * NBUF)]
    ),
)(_sc_body)


def kernel(x, table):
    flat = _sc_gather(x.reshape(-1), table)
    return flat.reshape(x.shape + (EMB,))

# --- scband reference (transcript-rebuilt; emitter-appended) ---
"""Pipeline reference for scband-atom-embedding-44255343018352 (READ-ONLY COPY).

The authoritative reference and input builder live on the scoring server;
editing this copy changes nothing except your own understanding.
"""

import jax, jax.numpy as jnp
import numpy as np

EMBEDDING_DIM = 128
MAX_ATOM_INDEX = 84


def setup_inputs(seed: int = 0) -> dict:
    key = jax.random.key(seed)
    k_idx, k_w = jax.random.split(key)
    x = jax.random.randint(k_idx, (16384, 200), 0, MAX_ATOM_INDEX, dtype=jnp.int64 if jax.config.jax_enable_x64 else jnp.int32)
    bound = float(np.sqrt(3.0))
    table = jax.random.uniform(k_w, (MAX_ATOM_INDEX, EMBEDDING_DIM), dtype=jnp.float32, minval=-bound, maxval=bound)
    return {"x": x, "table": table}


def reference(x, table):
    # nn.Embedding lookup
    out = jnp.take(table, x, axis=0)
    # nn.Dropout is identity at inference time (eval mode)
    return out

if __name__ == "__main__":
    import jax
    _d = setup_inputs()
    print(jax.jit(kernel)(*tuple(_d.values())))

</pallas_src>

<mosaic_0001>
#map = affine_map<(d0, d1) -> (0)>
#map1 = affine_map<(d0, d1) -> (0, 0)>
module attributes {stable_mosaic.version = 14 : i64} {
  func.func @_sc_body(%arg0: i32, %arg1: i32, %arg2: memref<3276800xi32, #tpu.memory_space<hbm>>, %arg3: memref<84x128xf32, #tpu.memory_space<hbm>>, %arg4: memref<3276800x128xf32, #tpu.memory_space<hbm>>, %arg5: memref<84x128xf32, #tpu.memory_space<vmem_shared>>, %arg6: memref<400xi32, #tpu.memory_space<vmem>>, %arg7: memref<400xi32, #tpu.memory_space<vmem>>, %arg8: memref<400x128xf32, #tpu.memory_space<vmem>>, %arg9: memref<400x128xf32, #tpu.memory_space<vmem>>, %arg10: memref<!tpu.dma_semaphore, #tpu.memory_space<semaphore_mem>>, %arg11: memref<!tpu.dma_semaphore, #tpu.memory_space<semaphore_mem>>, %arg12: memref<!tpu.dma_semaphore, #tpu.memory_space<semaphore_mem>>, %arg13: memref<!tpu.dma_semaphore, #tpu.memory_space<semaphore_mem>>, %arg14: memref<!tpu.dma_semaphore, #tpu.memory_space<semaphore_mem>>, %arg15: memref<!tpu.dma_semaphore, #tpu.memory_space<semaphore_mem>>) attributes {dimension_semantics = [#tpu.dimension_semantics<core_parallel>, #tpu.dimension_semantics<subcore_parallel>], iteration_bounds = array<i64: 2, 16>, scalar_prefetch = 0 : i64, scratch_operands = 11 : i64, tpu.core_type = #tpu.core_type<sc_vector_subcore>, window_params = [{transform_indices = #map}, {transform_indices = #map1}, {transform_indices = #map1}]} {
    %mul3A = arith.constant 2 : i32
    %mul3A_0 = arith.muli %arg1, %mul3A : i32
    %add3A = arith.addi %mul3A_0, %arg0 : i32
    %mul3A_1 = arith.constant 102400 : i32
    %mul3A_2 = arith.muli %add3A, %mul3A_1 : i32
    %eq3A = arith.constant 0 : i32
    %eq3A_3 = arith.cmpi eq, %arg1, %eq3A : i32
    %convert_element_type3A = arith.extui %eq3A_3 : i1 to i32
    %cond3A = arith.constant 0 : i32
    %cond3A_4 = arith.cmpi ne, %convert_element_type3A, %cond3A : i32
    scf.if %cond3A_4 {
      "tpu.region"() ({
        %run_scoped3A = tpu.sem_alloc : memref<!tpu.dma_semaphore, #tpu.memory_space<semaphore_mem>>
        %dma_start3A_35 = arith.constant 0 : i32
        %dma_start3A_36 = arith.constant 0 : i32
        %dma_start3A_37 = tpu.memref_slice %arg8[%dma_start3A_35, %dma_start3A_36] : memref<400x128xf32, #tpu.memory_space<vmem>> -> memref<84x128xf32, #tpu.memory_space<vmem>>
        %dma_start3A_38 = arith.constant 0 : i32
        %dma_start3A_39 = arith.constant 0 : i32
        %dma_start3A_40 = tpu.memref_slice %arg8[%dma_start3A_38, %dma_start3A_39] : memref<400x128xf32, #tpu.memory_space<vmem>> -> memref<84x128xf32, #tpu.memory_space<vmem>>
        tpu.enqueue_dma source(%arg3 : memref<84x128xf32, #tpu.memory_space<hbm>>) target(%dma_start3A_40 : memref<84x128xf32, #tpu.memory_space<vmem>>) target_semaphore(%run_scoped3A : memref<!tpu.dma_semaphore, #tpu.memory_space<semaphore_mem>>)
        %dma_wait3A_41 = arith.constant 0 : i32
        %dma_wait3A_42 = arith.constant 0 : i32
        %dma_wait3A_43 = tpu.memref_slice %arg8[%dma_wait3A_41, %dma_wait3A_42] : memref<400x128xf32, #tpu.memory_space<vmem>> -> memref<84x128xf32, #tpu.memory_space<vmem>>
        %dma_wait3A_44 = arith.constant 0 : i32
        %dma_wait3A_45 = arith.constant 0 : i32
        %dma_wait3A_46 = tpu.memref_slice %arg8[%dma_wait3A_44, %dma_wait3A_45] : memref<400x128xf32, #tpu.memory_space<vmem>> -> memref<84x128xf32, #tpu.memory_space<vmem>>
        tpu.wait_dma2 semaphore(%run_scoped3A : memref<!tpu.dma_semaphore, #tpu.memory_space<semaphore_mem>>) src(%arg3 : memref<84x128xf32, #tpu.memory_space<hbm>>) dst(%dma_wait3A_46 : memref<84x128xf32, #tpu.memory_space<vmem>>)
        tpu.yield
      }) : () -> ()
      "tpu.region"() ({
        %run_scoped3A = tpu.sem_alloc : memref<!tpu.dma_semaphore, #tpu.memory_space<semaphore_mem>>
        %dma_start3A_35 = arith.constant 0 : i32
        %dma_start3A_36 = arith.constant 0 : i32
        %dma_start3A_37 = tpu.memref_slice %arg8[%dma_start3A_35, %dma_start3A_36] : memref<400x128xf32, #tpu.memory_space<vmem>> -> memref<84x128xf32, #tpu.memory_space<vmem>>
        %dma_start3A_38 = arith.constant 0 : i32
        %dma_start3A_39 = arith.constant 0 : i32
        %dma_start3A_40 = tpu.memref_slice %arg8[%dma_start3A_38, %dma_start3A_39] : memref<400x128xf32, #tpu.memory_space<vmem>> -> memref<84x128xf32, #tpu.memory_space<vmem>>
        tpu.enqueue_dma source(%dma_start3A_40 : memref<84x128xf32, #tpu.memory_space<vmem>>) target(%arg5 : memref<84x128xf32, #tpu.memory_space<vmem_shared>>) target_semaphore(%run_scoped3A : memref<!tpu.dma_semaphore, #tpu.memory_space<semaphore_mem>>)
        %dma_wait3A_41 = arith.constant 0 : i32
        %dma_wait3A_42 = arith.constant 0 : i32
        %dma_wait3A_43 = tpu.memref_slice %arg8[%dma_wait3A_41, %dma_wait3A_42] : memref<400x128xf32, #tpu.memory_space<vmem>> -> memref<84x128xf32, #tpu.memory_space<vmem>>
        %dma_wait3A_44 = arith.constant 0 : i32
        %dma_wait3A_45 = arith.constant 0 : i32
        %dma_wait3A_46 = tpu.memref_slice %arg8[%dma_wait3A_44, %dma_wait3A_45] : memref<400x128xf32, #tpu.memory_space<vmem>> -> memref<84x128xf32, #tpu.memory_space<vmem>>
        tpu.wait_dma2 semaphore(%run_scoped3A : memref<!tpu.dma_semaphore, #tpu.memory_space<semaphore_mem>>) src(%dma_wait3A_46 : memref<84x128xf32, #tpu.memory_space<vmem>>) dst(%arg5 : memref<84x128xf32, #tpu.memory_space<vmem_shared>>)
        tpu.yield
      }) : () -> ()
    } else {
    }
    %barrier3A = arith.constant 0 : index
    tpu.barrier barrier_id(%barrier3A)
    %add3A_5 = arith.constant 0 : i32
    %add3A_6 = arith.addi %mul3A_2, %add3A_5 : i32
    %dma_start3A = tpu.memref_slice %arg2[%add3A_6] : memref<3276800xi32, #tpu.memory_space<hbm>> -> memref<400xi32, #tpu.memory_space<hbm>>
    %dma_start3A_7 = tpu.memref_slice %arg2[%add3A_6] : memref<3276800xi32, #tpu.memory_space<hbm>> -> memref<400xi32, #tpu.memory_space<hbm>>
    tpu.enqueue_dma source(%dma_start3A_7 : memref<400xi32, #tpu.memory_space<hbm>>) target(%arg6 : memref<400xi32, #tpu.memory_space<vmem>>) target_semaphore(%arg10 : memref<!tpu.dma_semaphore, #tpu.memory_space<semaphore_mem>>)
    %add3A_8 = arith.constant 400 : i32
    %add3A_9 = arith.addi %mul3A_2, %add3A_8 : i32
    %dma_start3A_10 = tpu.memref_slice %arg2[%add3A_9] : memref<3276800xi32, #tpu.memory_space<hbm>> -> memref<400xi32, #tpu.memory_space<hbm>>
    %dma_start3A_11 = tpu.memref_slice %arg2[%add3A_9] : memref<3276800xi32, #tpu.memory_space<hbm>> -> memref<400xi32, #tpu.memory_space<hbm>>
    tpu.enqueue_dma source(%dma_start3A_11 : memref<400xi32, #tpu.memory_space<hbm>>) target(%arg7 : memref<400xi32, #tpu.memory_space<vmem>>) target_semaphore(%arg11 : memref<!tpu.dma_semaphore, #tpu.memory_space<semaphore_mem>>)
    %dma_wait3A = arith.constant 0 : i32
    %dma_wait3A_12 = tpu.memref_slice %arg2[%dma_wait3A] : memref<3276800xi32, #tpu.memory_space<hbm>> -> memref<400xi32, #tpu.memory_space<hbm>>
    %dma_wait3A_13 = arith.constant 0 : i32
    %dma_wait3A_14 = tpu.memref_slice %arg2[%dma_wait3A_13] : memref<3276800xi32, #tpu.memory_space<hbm>> -> memref<400xi32, #tpu.memory_space<hbm>>
    tpu.wait_dma2 semaphore(%arg10 : memref<!tpu.dma_semaphore, #tpu.memory_space<semaphore_mem>>) src(%dma_wait3A_14 : memref<400xi32, #tpu.memory_space<hbm>>) dst(%arg6 : memref<400xi32, #tpu.memory_space<vmem>>)
    %dma_start3A_15 = arith.constant 0 : i32
    %dma_start3A_16 = arith.constant 0 : i32
    %dma_start3A_17 = tpu.memref_slice %arg5[%dma_start3A_15, %dma_start3A_16] : memref<84x128xf32, #tpu.memory_space<vmem_shared>> -> memref<84x128xf32, #tpu.memory_space<vmem_shared>>
    tpu.enqueue_indirect_dma source(%dma_start3A_17 : memref<84x128xf32, #tpu.memory_space<vmem_shared>>) target(%arg8 : memref<400x128xf32, #tpu.memory_space<vmem>>) offsets(%arg6 : memref<400xi32, #tpu.memory_space<vmem>>) semaphore(%arg12 : memref<!tpu.dma_semaphore, #tpu.memory_space<semaphore_mem>>)
    %scan3A = arith.constant 0 : i32
    %scan3A_18 = arith.constant 0 : i32
    %scan3A_19 = arith.constant 128 : i32
    %scan3A_20 = arith.addi %scan3A_18, %scan3A_19 : i32
    %scan3A_21 = arith.constant 1 : i32
    scf.for %scan3A_35 = %scan3A_18 to %scan3A_20 step %scan3A_21  : i32 {
      %mul3A_36 = arith.constant 2 : i32
      %mul3A_37 = arith.muli %mul3A_36, %scan3A_35 : i32
      %dma_wait3A_38 = arith.constant 0 : i32
      %dma_wait3A_39 = arith.constant 0 : i32
      %dma_wait3A_40 = tpu.memref_slice %arg5[%dma_wait3A_38, %dma_wait3A_39] : memref<84x128xf32, #tpu.memory_space<vmem_shared>> -> memref<84x128xf32, #tpu.memory_space<vmem_shared>>
      tpu.wait_indirect_dma semaphore(%arg12 : memref<!tpu.dma_semaphore, #tpu.memory_space<semaphore_mem>>) src(%dma_wait3A_40 : memref<84x128xf32, #tpu.memory_space<vmem_shared>>) dst(%arg8 : memref<400x128xf32, #tpu.memory_space<vmem>>)
      %add3A_41 = arith.constant 0 : i32
      %add3A_42 = arith.addi %mul3A_37, %add3A_41 : i32
      %mul3A_43 = arith.constant 400 : i32
      %mul3A_44 = arith.muli %add3A_42, %mul3A_43 : i32
      %add3A_45 = arith.addi %mul3A_2, %mul3A_44 : i32
      %dma_start3A_46 = arith.constant 0 : i32
      %dma_start3A_47 = tpu.memref_slice %arg4[%add3A_45, %dma_start3A_46] : memref<3276800x128xf32, #tpu.memory_space<hbm>> -> memref<400x128xf32, #tpu.memory_space<hbm>>
      %dma_start3A_48 = arith.constant 0 : i32
      %dma_start3A_49 = tpu.memref_slice %arg4[%add3A_45, %dma_start3A_48] : memref<3276800x128xf32, #tpu.memory_space<hbm>> -> memref<400x128xf32, #tpu.memory_space<hbm>>
      tpu.enqueue_dma source(%arg8 : memref<400x128xf32, #tpu.memory_space<vmem>>) target(%dma_start3A_49 : memref<400x128xf32, #tpu.memory_space<hbm>>) target_semaphore(%arg14 : memref<!tpu.dma_semaphore, #tpu.memory_space<semaphore_mem>>)
      %lt3A = arith.constant 127 : i32
      %lt3A_50 = arith.cmpi slt, %scan3A_35, %lt3A : i32
      %convert_element_type3A_51 = arith.extui %lt3A_50 : i1 to i32
      %cond3A_52 = arith.constant 0 : i32
      %cond3A_53 = arith.cmpi ne, %convert_element_type3A_51, %cond3A_52 : i32
      scf.if %cond3A_53 {
        %add3A_87 = arith.constant 0 : i32
        %add3A_88 = arith.addi %mul3A_37, %add3A_87 : i32
        %add3A_89 = arith.constant 2 : i32
        %add3A_90 = arith.addi %add3A_88, %add3A_89 : i32
        %mul3A_91 = arith.constant 400 : i32
        %mul3A_92 = arith.muli %add3A_90, %mul3A_91 : i32
        %add3A_93 = arith.addi %mul3A_2, %mul3A_92 : i32
        %dma_start3A_94 = tpu.memref_slice %arg2[%add3A_93] : memref<3276800xi32, #tpu.memory_space<hbm>> -> memref<400xi32, #tpu.memory_space<hbm>>
        %dma_start3A_95 = tpu.memref_slice %arg2[%add3A_93] : memref<3276800xi32, #tpu.memory_space<hbm>> -> memref<400xi32, #tpu.memory_space<hbm>>
        tpu.enqueue_dma source(%dma_start3A_95 : memref<400xi32, #tpu.memory_space<hbm>>) target(%arg6 : memref<400xi32, #tpu.memory_space<vmem>>) target_semaphore(%arg10 : memref<!tpu.dma_semaphore, #tpu.memory_space<semaphore_mem>>)
      } else {
      }
      %dma_wait3A_54 = arith.constant 0 : i32
      %dma_wait3A_55 = tpu.memref_slice %arg2[%dma_wait3A_54] : memref<3276800xi32, #tpu.memory_space<hbm>> -> memref<400xi32, #tpu.memory_space<hbm>>
      %dma_wait3A_56 = arith.constant 0 : i32
      %dma_wait3A_57 = tpu.memref_slice %arg2[%dma_wait3A_56] : memref<3276800xi32, #tpu.memory_space<hbm>> -> memref<400xi32, #tpu.memory_space<hbm>>
      tpu.wait_dma2 semaphore(%arg11 : memref<!tpu.dma_semaphore, #tpu.memory_space<semaphore_mem>>) src(%dma_wait3A_57 : memref<400xi32, #tpu.memory_space<hbm>>) dst(%arg7 : memref<400xi32, #tpu.memory_space<vmem>>)
      %ge3A = arith.constant 1 : i32
      %ge3A_58 = arith.cmpi sge, %scan3A_35, %ge3A : i32
      %convert_element_type3A_59 = arith.extui %ge3A_58 : i1 to i32
      %cond3A_60 = arith.constant 0 : i32
      %cond3A_61 = arith.cmpi ne, %convert_element_type3A_59, %cond3A_60 : i32
      scf.if %cond3A_61 {
        %dma_wait3A_87 = arith.constant 0 : i32
        %dma_wait3A_88 = arith.constant 0 : i32
        %dma_wait3A_89 = tpu.memref_slice %arg4[%dma_wait3A_87, %dma_wait3A_88] : memref<3276800x128xf32, #tpu.memory_space<hbm>> -> memref<400x128xf32, #tpu.memory_space<hbm>>
        %dma_wait3A_90 = arith.constant 0 : i32
        %dma_wait3A_91 = arith.constant 0 : i32
        %dma_wait3A_92 = tpu.memref_slice %arg4[%dma_wait3A_90, %dma_wait3A_91] : memref<3276800x128xf32, #tpu.memory_space<hbm>> -> memref<400x128xf32, #tpu.memory_space<hbm>>
        tpu.wait_dma2 semaphore(%arg15 : memref<!tpu.dma_semaphore, #tpu.memory_space<semaphore_mem>>) src(%arg9 : memref<400x128xf32, #tpu.memory_space<vmem>>) dst(%dma_wait3A_92 : memref<400x128xf32, #tpu.memory_space<hbm>>)
      } else {
      }
      %dma_start3A_62 = arith.constant 0 : i32
      %dma_start3A_63 = arith.constant 0 : i32
      %dma_start3A_64 = tpu.memref_slice %arg5[%dma_start3A_62, %dma_start3A_63] : memref<84x128xf32, #tpu.memory_space<vmem_shared>> -> memref<84x128xf32, #tpu.memory_space<vmem_shared>>
      tpu.enqueue_indirect_dma source(%dma_start3A_64 : memref<84x128xf32, #tpu.memory_space<vmem_shared>>) target(%arg9 : memref<400x128xf32, #tpu.memory_space<vmem>>) offsets(%arg7 : memref<400xi32, #tpu.memory_space<vmem>>) semaphore(%arg13 : memref<!tpu.dma_semaphore, #tpu.memory_space<semaphore_mem>>)
      %dma_wait3A_65 = arith.constant 0 : i32
      %dma_wait3A_66 = arith.constant 0 : i32
      %dma_wait3A_67 = tpu.memref_slice %arg5[%dma_wait3A_65, %dma_wait3A_66] : memref<84x128xf32, #tpu.memory_space<vmem_shared>> -> memref<84x128xf32, #tpu.memory_space<vmem_shared>>
      tpu.wait_indirect_dma semaphore(%arg13 : memref<!tpu.dma_semaphore, #tpu.memory_space<semaphore_mem>>) src(%dma_wait3A_67 : memref<84x128xf32, #tpu.memory_space<vmem_shared>>) dst(%arg9 : memref<400x128xf32, #tpu.memory_space<vmem>>)
      %add3A_68 = arith.constant 1 : i32
      %add3A_69 = arith.addi %mul3A_37, %add3A_68 : i32
      %mul3A_70 = arith.constant 400 : i32
      %mul3A_71 = arith.muli %add3A_69, %mul3A_70 : i32
      %add3A_72 = arith.addi %mul3A_2, %mul3A_71 : i32
      %dma_start3A_73 = arith.constant 0 : i32
      %dma_start3A_74 = tpu.memref_slice %arg4[%add3A_72, %dma_start3A_73] : memref<3276800x128xf32, #tpu.memory_space<hbm>> -> memref<400x128xf32, #tpu.memory_space<hbm>>
      %dma_start3A_75 = arith.constant 0 : i32
      %dma_start3A_76 = tpu.memref_slice %arg4[%add3A_72, %dma_start3A_75] : memref<3276800x128xf32, #tpu.memory_space<hbm>> -> memref<400x128xf32, #tpu.memory_space<hbm>>
      tpu.enqueue_dma source(%arg9 : memref<400x128xf32, #tpu.memory_space<vmem>>) target(%dma_start3A_76 : memref<400x128xf32, #tpu.memory_space<hbm>>) target_semaphore(%arg15 : memref<!tpu.dma_semaphore, #tpu.memory_space<semaphore_mem>>)
      %lt3A_77 = arith.constant 127 : i32
      %lt3A_78 = arith.cmpi slt, %scan3A_35, %lt3A_77 : i32
      %convert_element_type3A_79 = arith.extui %lt3A_78 : i1 to i32
      %cond3A_80 = arith.constant 0 : i32
      %cond3A_81 = arith.cmpi ne, %convert_element_type3A_79, %cond3A_80 : i32
      scf.if %cond3A_81 {
        %add3A_87 = arith.constant 1 : i32
        %add3A_88 = arith.addi %mul3A_37, %add3A_87 : i32
        %add3A_89 = arith.constant 2 : i32
        %add3A_90 = arith.addi %add3A_88, %add3A_89 : i32
        %mul3A_91 = arith.constant 400 : i32
        %mul3A_92 = arith.muli %add3A_90, %mul3A_91 : i32
        %add3A_93 = arith.addi %mul3A_2, %mul3A_92 : i32
        %dma_start3A_94 = tpu.memref_slice %arg2[%add3A_93] : memref<3276800xi32, #tpu.memory_space<hbm>> -> memref<400xi32, #tpu.memory_space<hbm>>
        %dma_start3A_95 = tpu.memref_slice %arg2[%add3A_93] : memref<3276800xi32, #tpu.memory_space<hbm>> -> memref<400xi32, #tpu.memory_space<hbm>>
        tpu.enqueue_dma source(%dma_start3A_95 : memref<400xi32, #tpu.memory_space<hbm>>) target(%arg7 : memref<400xi32, #tpu.memory_space<vmem>>) target_semaphore(%arg11 : memref<!tpu.dma_semaphore, #tpu.memory_space<semaphore_mem>>)
      } else {
      }
      %lt3A_82 = arith.constant 127 : i32
      %lt3A_83 = arith.cmpi slt, %scan3A_35, %lt3A_82 : i32
      %convert_element_type3A_84 = arith.extui %lt3A_83 : i1 to i32
      %cond3A_85 = arith.constant 0 : i32
      %cond3A_86 = arith.cmpi ne, %convert_element_type3A_84, %cond3A_85 : i32
      scf.if %cond3A_86 {
        %dma_wait3A_87 = arith.constant 0 : i32
        %dma_wait3A_88 = tpu.memref_slice %arg2[%dma_wait3A_87] : memref<3276800xi32, #tpu.memory_space<hbm>> -> memref<400xi32, #tpu.memory_space<hbm>>
        %dma_wait3A_89 = arith.constant 0 : i32
        %dma_wait3A_90 = tpu.memref_slice %arg2[%dma_wait3A_89] : memref<3276800xi32, #tpu.memory_space<hbm>> -> memref<400xi32, #tpu.memory_space<hbm>>
        tpu.wait_dma2 semaphore(%arg10 : memref<!tpu.dma_semaphore, #tpu.memory_space<semaphore_mem>>) src(%dma_wait3A_90 : memref<400xi32, #tpu.memory_space<hbm>>) dst(%arg6 : memref<400xi32, #tpu.memory_space<vmem>>)
        %dma_wait3A_91 = arith.constant 0 : i32
        %dma_wait3A_92 = arith.constant 0 : i32
        %dma_wait3A_93 = tpu.memref_slice %arg4[%dma_wait3A_91, %dma_wait3A_92] : memref<3276800x128xf32, #tpu.memory_space<hbm>> -> memref<400x128xf32, #tpu.memory_space<hbm>>
        %dma_wait3A_94 = arith.constant 0 : i32
        %dma_wait3A_95 = arith.constant 0 : i32
        %dma_wait3A_96 = tpu.memref_slice %arg4[%dma_wait3A_94, %dma_wait3A_95] : memref<3276800x128xf32, #tpu.memory_space<hbm>> -> memref<400x128xf32, #tpu.memory_space<hbm>>
        tpu.wait_dma2 semaphore(%arg14 : memref<!tpu.dma_semaphore, #tpu.memory_space<semaphore_mem>>) src(%arg8 : memref<400x128xf32, #tpu.memory_space<vmem>>) dst(%dma_wait3A_96 : memref<400x128xf32, #tpu.memory_space<hbm>>)
        %dma_start3A_97 = arith.constant 0 : i32
        %dma_start3A_98 = arith.constant 0 : i32
        %dma_start3A_99 = tpu.memref_slice %arg5[%dma_start3A_97, %dma_start3A_98] : memref<84x128xf32, #tpu.memory_space<vmem_shared>> -> memref<84x128xf32, #tpu.memory_space<vmem_shared>>
        tpu.enqueue_indirect_dma source(%dma_start3A_99 : memref<84x128xf32, #tpu.memory_space<vmem_shared>>) target(%arg8 : memref<400x128xf32, #tpu.memory_space<vmem>>) offsets(%arg6 : memref<400xi32, #tpu.memory_space<vmem>>) semaphore(%arg12 : memref<!tpu.dma_semaphore, #tpu.memory_space<semaphore_mem>>)
      } else {
      }
    }
    %scan3A_22 = arith.constant 128 : i32
    %dma_wait3A_23 = arith.constant 0 : i32
    %dma_wait3A_24 = arith.constant 0 : i32
    %dma_wait3A_25 = tpu.memref_slice %arg4[%dma_wait3A_23, %dma_wait3A_24] : memref<3276800x128xf32, #tpu.memory_space<hbm>> -> memref<400x128xf32, #tpu.memory_space<hbm>>
    %dma_wait3A_26 = arith.constant 0 : i32
    %dma_wait3A_27 = arith.constant 0 : i32
    %dma_wait3A_28 = tpu.memref_slice %arg4[%dma_wait3A_26, %dma_wait3A_27] : memref<3276800x128xf32, #tpu.memory_space<hbm>> -> memref<400x128xf32, #tpu.memory_space<hbm>>
    tpu.wait_dma2 semaphore(%arg14 : memref<!tpu.dma_semaphore, #tpu.memory_space<semaphore_mem>>) src(%arg8 : memref<400x128xf32, #tpu.memory_space<vmem>>) dst(%dma_wait3A_28 : memref<400x128xf32, #tpu.memory_space<hbm>>)
    %dma_wait3A_29 = arith.constant 0 : i32
    %dma_wait3A_30 = arith.constant 0 : i32
    %dma_wait3A_31 = tpu.memref_slice %arg4[%dma_wait3A_29, %dma_wait3A_30] : memref<3276800x128xf32, #tpu.memory_space<hbm>> -> memref<400x128xf32, #tpu.memory_space<hbm>>
    %dma_wait3A_32 = arith.constant 0 : i32
    %dma_wait3A_33 = arith.constant 0 : i32
    %dma_wait3A_34 = tpu.memref_slice %arg4[%dma_wait3A_32, %dma_wait3A_33] : memref<3276800x128xf32, #tpu.memory_space<hbm>> -> memref<400x128xf32, #tpu.memory_space<hbm>>
    tpu.wait_dma2 semaphore(%arg15 : memref<!tpu.dma_semaphore, #tpu.memory_space<semaphore_mem>>) src(%arg9 : memref<400x128xf32, #tpu.memory_space<vmem>>) dst(%dma_wait3A_34 : memref<400x128xf32, #tpu.memory_space<hbm>>)
    return
  }
}

</mosaic_0001>

<sc_bundles>
// kernel: kernel.3.cloned.1.call-start
scs
__scs_entry_jumppad:
0x0: {  	(pc) =	sbr.rel $0x88, $3  }
0x1: {  	(tag) =	ssettag $0x0;
	lr =	simm.s32 $0x1  }
0x2: {  	[smem:$0x3F9F] =	sst lr;
	_ =	strace $0xD0000000  }
0x3: {  	_ = 	snop  }
0x4: {  	_ = 	snop  }
0x5: {  	_ = 	snop  }
0x6: {  	_ = 	snop  }
0x7: {  	_ = 	snop  }
__scs_overlays_trampoline_lowered:
0x8: {  	[smem:$0x3FAE] =	sst s0  }
0x9: {  	[smem:$0x3FAF] =	sst s1  }
0xa: {  	[smem:$0x3FB0] =	sst s2  }
0xb: {  	[smem:$0x3FB1] =	sst s3  }
0xc: {  	[smem:$0x3FB2] =	sst s4  }
0xd: {  	[smem:$0x3FB3] =	sst s5  }
0xe: {  	[smem:$0x3FB4] =	sst s6  }
0xf: {  	[smem:$0x3FB5] =	sst s7  }
0x10: {  	[smem:$0x3FB6] =	sst s8  }
0x11: {  	[smem:$0x3FB7] =	sst s9;
	s0 =	simm.s32 @!p0 $0x0  }
0x12: {  	s1 =	sld [smem:$0x3F9D];
	s0 =	simm.s32 @p0 $0x1  }
0x13: {  	[smem:$0x3FB8] =	sst s0;
	s0 =	simm.s32 @!p1 $0x0  }
0x14: {  	s2 =	sld [smem:$0x3F9C];
	s0 =	simm.s32 @p1 $0x1  }
0x15: {  	[smem:$0x3FB9] =	sst s0;
	s0 =	simm.s32 @!p2 $0x0  }
0x16: {  	s3 =	sld [smem:$0x3FDB];
	s0 =	simm.s32 @p2 $0x1  }
0x17: {  	s4 =	simm.s32 $0x1BF5;
	[smem:$0x3FBB] =	sst s0  }
0x18: {  	s0 =	sld [smem:$0x3F9E];
	_ =	swait.ge [sflag:s4], $0x0  }
0x19: {  	s7 =	sld [smem:$0x3F9F]  }
0x1a: {  	s8 =	sadd.s32 $0xFFFFE003, lr  }
0x1b: {  	s9 =	sadd.s32 $0xFFFFFEF7, lr;
	s5 =	simm.s32 $0xFFFFFFFF;
	p2 =	slt.u32 s8, $0xFFFFF086  }
0x1c: {  	p1 =	slt.u32 s9, $0xF7A;
	s5 =	simm.s32 @!p2 $0x0  }
0x1d: {  	s5 =	simm.s32 @p1 $0x1;
	p0 =	seq.s32 s7, s2  }
0x1e: {  	s7 =	smul.u32 @!p0 $0xF7A, s2;
	p2 =	seq.s32 @!p0 s5, $0x0  }
0x1f: {  	s9 =	smul.u32 $0xF7A, s1;
	s8 =	simm.s32 @!p0 $0x1BF5;
	p2 =	por !p2, p0  }
0x20: {  	[sflag:s8] =	ssyncset.s32 @!p0 $0xFFFFF086;
	s6 =	sadd.s32 @!p0 s3, s7;
	s7 =	simm.s32 @!p0 $0x108  }
0x21: {  	s3 =	sadd.s32 s3, s9;
	s6 =	sadd.s32 @!p0 $0x88, s6;
	s7 =	simm.s32 @p2 $0x1082  }
0x22: {  	[simem:s7], [sflag:s8] =	dma.local @!p0 [hbm:s6], $0xF7A  }
0x23: {  	s9 =	sor.u32 $0xD0000000, s2;
	s6 =	simm.s32 $0x108;
	_ =	swait.ge @!p0 [sflag:s8], $0x0  }
0x24: {  	s3 =	sadd.s32 $0x88, s3;
	s6 =	simm.s32 @!p1 $0x1082;
	[sflag:s4] =	ssyncset.s32 $0xFFFFF086  }
0x25: {  	[simem:s6], [sflag:s4] =	dma.local [hbm:s3], $0xF7A  }
0x26: {  	[smem:$0x3F9F] =	sst s1;
	(tag) =	ssettag s2;
	_ =	strace s9  }
0x27: {  	s1 =	sld [smem:$0x3FAF]  }
0x28: {  	s2 =	sld [smem:$0x3FB0]  }
0x29: {  	s4 =	sld [smem:$0x3FB2]  }
0x2a: {  	p0 =	seq.s32 s5, $0x0;
	s5 =	sld [smem:$0x3FB3]  }
0x2b: {  	s6 =	sld [smem:$0x3FB4]  }
0x2c: {  	s7 =	sld [smem:$0x3FB5]  }
0x2d: {  	s3 =	simm.s32 $0x108;
	s8 =	sld [smem:$0x3FB6]  }
0x2e: {  	s3 =	simm.s32 @!p0 $0x1082;
	s9 =	sld [smem:$0x3FB7]  }
0x2f: {  	lr =	sadd.s32 s0, s3;
	s0 =	sld [smem:$0x3FAE]  }
0x30: {  	s3 =	sld [smem:$0x3FB1]  }
0x31: {  	[smem:$0x3FBA] =	sst s10  }
0x32: {  	s10 =	sld [smem:$0x3FB8];
	_ =	sdelay $0x3  }
0x33: {  	p0 =	seq.s32 s10, $0x1;
	s10 =	sld [smem:$0x3FBA];
	_ =	sdelay $0x3  }
0x34: {  	[smem:$0x3FBA] =	sst s10  }
0x35: {  	s10 =	sld [smem:$0x3FB9];
	_ =	sdelay $0x3  }
0x36: {  	p1 =	seq.s32 s10, $0x1;
	s10 =	sld [smem:$0x3FBA];
	_ =	sdelay $0x3  }
0x37: {  	[smem:$0x3FBA] =	sst s10  }
0x38: {  	s10 =	sld [smem:$0x3FBB]  }
0x39: {  	_ = 	snop;
	(pc) =	sbr.ind lr, $3  }
0x3a: {  	_ = 	snop  }
0x3b: {  	_ = 	snop  }
0x3c: {  	p2 =	seq.s32 s10, $0x1;
	s10 =	sld [smem:$0x3FBA]  }
0x3d: {  	_ =	shalt  }
0x3e: {  	_ =	shalt  }
0x3f: {  	_ =	shalt  }
0x40: {  	_ =	shalt  }
0x41: {  	_ =	shalt  }
0x42: {  	_ =	shalt  }
0x43: {  	_ =	shalt  }
0x44: {  	_ =	shalt  }
0x45: {  	_ =	shalt  }
0x46: {  	_ =	shalt  }
0x47: {  	_ =	shalt  }
0x48: {  	_ =	shalt  }
0x49: {  	_ =	shalt  }
0x4a: {  	_ =	shalt  }
0x4b: {  	_ =	shalt  }
0x4c: {  	_ =	shalt  }
0x4d: {  	_ =	shalt  }
0x4e: {  	_ =	shalt  }
0x4f: {  	_ =	shalt  }
0x50: {  	_ =	shalt  }
0x51: {  	_ =	shalt  }
0x52: {  	_ =	shalt  }
0x53: {  	_ =	shalt  }
0x54: {  	_ =	shalt  }
0x55: {  	_ =	shalt  }
0x56: {  	_ =	shalt  }
0x57: {  	_ =	shalt  }
0x58: {  	_ =	shalt  }
0x59: {  	_ =	shalt  }
0x5a: {  	_ =	shalt  }
0x5b: {  	_ =	shalt  }
0x5c: {  	_ =	shalt  }
0x5d: {  	_ =	shalt  }
0x5e: {  	_ =	shalt  }
0x5f: {  	_ =	shalt  }
0x60: {  	_ =	shalt  }
0x61: {  	_ =	shalt  }
0x62: {  	_ =	shalt  }
0x63: {  	_ =	shalt  }
0x64: {  	_ =	shalt  }
0x65: {  	_ =	shalt  }
0x66: {  	_ =	shalt  }
0x67: {  	_ =	shalt  }
0x68: {  	_ =	shalt  }
0x69: {  	_ =	shalt  }
0x6a: {  	_ =	shalt  }
0x6b: {  	_ =	shalt  }
0x6c: {  	_ =	shalt  }
0x6d: {  	_ =	shalt  }
0x6e: {  	_ =	shalt  }
0x6f: {  	_ =	shalt  }
0x70: {  	_ =	shalt  }
0x71: {  	_ =	shalt  }
0x72: {  	_ =	shalt  }
0x73: {  	_ =	shalt  }
0x74: {  	_ =	shalt  }
0x75: {  	_ =	shalt  }
0x76: {  	_ =	shalt  }
0x77: {  	_ =	shalt  }
0x78: {  	_ =	shalt  }
0x79: {  	_ =	shalt  }
0x7a: {  	_ =	shalt  }
0x7b: {  	_ =	shalt  }
0x7c: {  	_ =	shalt  }
0x7d: {  	_ =	shalt  }
0x7e: {  	_ =	shalt  }
0x7f: {  	_ =	shalt  }
0x80: {  	_ =	shalt  }
0x81: {  	_ =	shalt  }
0x82: {  	_ =	shalt  }
0x83: {  	_ =	shalt  }
0x84: {  	_ =	shalt  }
0x85: {  	_ =	shalt  }
0x86: {  	_ =	shalt  }
0x87: {  	_ =	shalt  }
.Lfunc_end0:
.L_simem_size_0:
called_computation_lowered:
.L_overlay_start_0:
0x88: {  	s2 =	sld [smem:$0x3FD9]  }
0x89: {  	s3 =	sld [smem:$0x3FFE];
	_ =	sdelay $0x1  }
0x8a: {  	s1 =	srdreg.scid  }
0x8b: {  	s0 =	sand.u32 $0x1, s1  }
0x8c: {  	s17 =	sshll.u32 s0, $0xA;
	s2 =	sadd.s32 s3, s2  }
0x8d: {  	s2 =	sadd.s32 s2, s17  }
0x8e: {  	[smem:$0x3FC6] =	sst s2  }
0x8f: {  	_ = 	snop  }
0x90: {  	s2 =	sld [smem:$0x3FC8]  }
0x91: {  	s18 =	sld [smem:$0x3FD0];
	(tm) =	ssettm $0x1  }
0x92: {  	s4 =	sld [smem:$0x3FFB];
	_ =	sdelay $0x3  }
0x93: {  	_ =	strace s4  }
0x94: {  	s4 =	sld [smem:$0x3FFC];
	_ =	sdelay $0x3  }
0x95: {  	_ =	strace s4  }
0x96: {  	s4 =	sld [smem:$0x3FFD];
	_ =	sdelay $0x3  }
0x97: {  	_ =	strace s4  }
0x98: {  	_ =	strace $0x8FFFFFFF  }
0x99: {  	s19 =	sld [smem:$0x3FDB];
	_ =	sdelay $0x1  }
0x9a: {  	s5 =	simm.s32 $_scs_section_size  }
0x9b: {  	s6 =	simm.s32 $_size__tile_overlayer_lowered;
	s7 =	simm.s32 $_tile_overlayer_lowered  }
0x9c: {  	s22 =	simm.s32 $0x1BFF;
	s21 =	sshll.u32 s7, $0x1;
	s4 =	sadd.s32 s5, s19  }
0x9d: {  	s8 =	simm.s32 $0x0;
	s20 =	sshll.u32 s6, $0x1;
	s6 =	sadd.s32 s21, s4  }
0x9e: {  	[timem:s8], [sflag:s22] =	dma.local [hbm:s6], s20  }
0x9f: {  	_ =	swait.ge [sflag:s22], s20  }
0xa0: {  	s5 =	ssub.s32 $0x0, s20;
	[sflag:s22] =	ssyncset.done $0x0  }
0xa1: {  	[sflag:s22] =	ssyncadd.s32 s5;
	_ =	sdelay $0x1  }
0xa2: {  	s23 =	simm.s32 $0x1B8B  }
0xa3: {  	_ =	swait.ge [sflag:s23], $0x1  }
0xa4: {  	[sflag:s23] =	ssyncset.done $0x0  }
0xa5: {  	s25 =	simm.s32 $0x1B8E;
	s24 =	sld [smem:$0x3FFE];
	[sflag:s23] =	ssyncadd.s32 $0xFFFFFFFF  }
0xa6: {  	s26 =	simm.s32 $execute0_lowered;
	[smem:$0x3FD2] =	sst s25  }
0xa7: {  	s6 =	sshll.u32 s26, $0x1;
	_ =	strace $0x80000046;
	[dreg:$0x1] =	wrdreg $0xFFFFFFFF  }
0xa8: {  	s28 =	simm.s32 $_size_execute0_lowered;
	s4 =	sadd.s32 s4, s6;
	[dreg:$0x0] =	wrdreg $0x0  }
0xa9: {  	s6 =	sshll.u32 s28, $0x1;
	[dreg:$0x2] =	wrdreg s4  }
0xaa: {  	[dreg:$0x3] =	wrdreg s6  }
0xab: {  	[dreg:$0x4] =	wrdreg $0xC0  }
0xac: {  	_ =	task [dreg:s8], $0x5FFFF  }
0xad: {  	[dreg:$0x1] =	wrdreg $0xFFFFFFFF  }
0xae: {  	[dreg:$0x0] =	wrdreg $0x60  }
0xaf: {  	[dreg:$0x2] =	wrdreg s24  }
0xb0: {  	[dreg:$0x3] =	wrdreg s2  }
0xb1: {  	[dreg:$0x4] =	wrdreg s18  }
0xb2: {  	[dreg:$0x5] =	wrdreg $0x0  }
0xb3: {  	[dreg:$0x6] =	wrdreg $0x9  }
0xb4: {  	_ =	task.clear_ibuf [dreg:s8], $0x7FFFF;
	_ =	strace $0x90000046  }
0xb5: {  	s29 =	simm.s32 $0x9;
	_ =	strace $0x80000048  }
0xb6: {  	_ =	swait.ge [sflag:s29], $0x1  }
0xb7: {  	[sflag:s29] =	ssyncadd.s32 $0xFFFFFFFF  }
0xb8: {  	_ =	strace $0x90000048  }
0xb9: {  	_ =	sfence  }
0xba: {  	s30 =	sld [smem:$0x0];
	_ =	sdelay $0x2  }
0xbb: {  	s31 =	sshll.u32 s1, $0xD;
	s1 =	sshrl.u32 s1, $0x2  }
0xbc: {  	s3 =	sand.u32 $0x4000, s31;
	s1 =	sadd.s32 s1, s30  }
0xbd: {  	s0 =	sor.u32 s3, s0;
	s1 =	sshll.u32 s1, $0x11  }
0xbe: {  	s0 =	sor.u32 s1, s0  }
0xbf: {  	s0 =	sadd.s32 $0x8F2B, s0  }
0xc0: {  	[sflag:s0] =	ssyncadd.remote.s32 $0x1  }
0xc1: {  	_ =	sfence.sel $0xFFFF  }
0xc2: {  	[dreg:$0x0] =	wrdreg $0xFFFFFFFF;
	(pc) =	sbr.abs _section_cstart, $3  }
0xc3: {  	[dreg:$0x1] =	wrdreg $0xFFFFFFFF  }
0xc4: {  	_ =	task.clear_ibuf [dreg:s8], $0x2FFFF;
	_ =	strace $0x9FFFFFFF  }
0xc5: {  	(tm) =	ssettm $0x7FFFFFFF  }
tec
execute0_lowered:
.L_overlay_start_1:
0x0: {  	(tag) =	ssettag $0x1  }
0x1: {  	s4 =	rddreg [dreg:$0x0]  }
0x2: {  	s0 =	rddreg [dreg:$0x1]  }
0x3: {  	s1 =	srdreg.scid;
	s12 =	rddreg [dreg:$0x2]  }
0x4: {  	s14 =	stileid.u32;
	s2 =	rddreg [dreg:$0x3];
	s3 =	simm.s32 $0x0  }
0x5: {  	s19 =	simm.s32 $0x3;
	s11 =	sand.u32 $0x1, s1;
	s20 =	sshll.u32 s14, $0x1  }
0x6: {  	s1 =	rddreg [dreg:$0x4];
	s13 =	sadd.s32 $0x400, s4;
	s17 =	smul.u32 $0x32000, s14  }
0x7: {  	[smem:$0x7FF] =	sst s3;
	s28 =	smul.u32 $0x320000, s14;
	p0 =	sne.s32 s14, $0x0  }
0x8: {  	s14 =	simm.s32 $0x2A0;
	s6 =	sor.u32 s11, s20;
	s24 =	smul.u32 $0x19000, s11  }
0x9: {  	s5 =	ssub.s32 $0x2, s11;
	_ =	strace $0x80000047;
	s18 =	smul.u32 $0x190000, s11  }
0xa: {  	s20 =	simm.s32 $0x2;
	s7 =	smul.u32 $0x19000, s6;
	s8 =	sshrl.u32 s5, $0x1  }
0xb: {  	s15 =	smul.u32 $0x190000, s6;
	s8 =	ssub.s32 s5, s8;
	s26 =	sadd.s32 s24, s17  }
0xc: {  	s17 =	simm.s32 $0x190;
	s24 =	simm.s32 $0x6;
	s21 =	sshrl.u32 s7, $0x3  }
0xd: {  	s9 =	sor.u32 $0x320, s7;
	s10 =	sshll.u32 s7, $0x4;
	s16 =	sor.u32 $0x4B0, s7  }
0xe: {  	s6 =	smax.u32 s8, $0x1;
	s7 =	sadd.s32 s12, s15;
	s29 =	sor.u32 $0x7D0, s26  }
0xf: {  	s31 =	sor.u32 $0x640, s26;
	s4 =	sadd.s32 s13, s21;
	s22 =	sshrl.u32 s9, $0x3  }
0x10: {  	s23 =	sadd.s32 s10, s12;
	s25 =	sshrl.u32 s16, $0x3;
	s30 =	sshrl.u32 s29, $0x3  }
0x11: {  	s12 =	sadd.s32 s28, s12;
	s15 =	sshrl.u32 s31, $0x3;
	s16 =	simm.s32 $0x1  }
.Ltmp0:
0x12: {  	s21 =	simm.s32 $0xCEA0;
	s5 =	sadd.s32 $0x32, s4;
	(pc) =	sbr.rel .LBB2_1-.Ltmp0, $4  }
0x13: {  	s8 =	sadd.s32 s13, s22;
	s9 =	sadd.s32 $0x1900, s23;
	s10 =	sadd.s32 s13, s25  }
0x14: {  	s11 =	sadd.s32 s30, s13;
	s12 =	sadd.s32 s18, s12;
	s13 =	sadd.s32 s15, s13  }
0x15: {  	s15 =	simm.s32 $0x4A0;
	s18 =	simm.s32 $0x6A0;
	s22 =	simm.s32 $0x4  }
0x16: {  	s23 =	simm.s32 $0x5;
	s25 =	simm.s32 $0x0;
	s12 =	sadd.s32 $0x4B00, s12  }
.LBB2_4:
0x17: {  	s25 =	sadd.s32 $0x1, s25  }
0x18: {  	_ =	swait.ge [sflag:s23], $0xC800;
	p1 =	sne.s32 s25, s6  }
.Ltmp1:
0x19: {  	[sflag:s23] =	ssyncset.done $0x0;
	(pc) =	sbr.rel @!p1 .LBB2_5-.Ltmp1, $4  }
0x1a: {  	[sflag:s23] =	ssyncadd.s32 $0xFFFF3800  }
0x1b: {  	_ =	swait.ge [sflag:s24], $0xC800  }
0x1c: {  	[sflag:s24] =	ssyncset.done $0x0  }
0x1d: {  	[sflag:s24] =	ssyncadd.s32 $0xFFFF3800  }
.LBB2_1:
0x1e: {  	s26 =	simm.s32 @!p0 $0x0;
	s28 =	simm.s32 @!p0 $0x6A0  }
0x1f: {  	[tilespmem:s28], [sflag:$0x7] =	stream.linear.gather @!p0 [hbm4b:s0+s26], $0x2A00, $0x38;
	[tilespmem:$0x196A0] =	vst v63  }
0x20: {  	s26 =	simm.s32 @!p0 $0x7  }
0x21: {  	_ =	swait.ge @!p0 [sflag:s26], $0x2A00  }
0x22: {  	[sflag:s26] =	ssyncset.done @!p0 $0x0  }
0x23: {  	[sflag:s26] =	ssyncadd.s32 @!p0 $0xFFFFD600  }
0x24: {  	[spmem:s2] =	stream.linear.scatter @!p0 [tilespmem:s28], [sflag:$0x7], $0x2A00, $0x38;
	[tilespmem:$0x196A0] =	vst v63  }
0x25: {  	_ =	swait.ge @!p0 [sflag:s26], $0x2A00  }
0x26: {  	[sflag:s26] =	ssyncset.done @!p0 $0x0  }
0x27: {  	[sflag:s26] =	ssyncadd.s32 @!p0 $0xFFFFD600  }
0x28: {  	[bflag:$0x0] =	sbarrier.arrive $0xFFFF  }
0x29: {  	[tilespmem:s14], [sflag:$0x1] =	stream.linear.gather [hbm4b:s4+s3], $0x190, $0x38;
	[tilespmem:$0x196A0] =	vst v63  }
0x2a: {  	_ = 	snop  }
0x2b: {  	[tilespmem:s15], [sflag:$0x2] =	stream.linear.gather [hbm4b:s5+s3], $0x190, $0x38;
	[tilespmem:$0x196A0] =	vst v63  }
0x2c: {  	_ =	swait.ge [sflag:s16], $0x190  }
0x2d: {  	[sflag:s16] =	ssyncset.done $0x0  }
0x2e: {  	[sflag:s16] =	ssyncadd.s32 $0xFFFFFE70  }
0x2f: {  	[tilespmem:s18], [sflag:$0x3] =	stream.indirect.gather [spmem:s2], $0x80, s14, s17, $0xb8;
	[tilespmem:$0x196A0] =	vst v63  }
0x30: {  	_ =	swait.ge [sflag:s19], $0xC800  }
0x31: {  	[sflag:s19] =	ssyncset.done $0x0  }
0x32: {  	[sflag:s19] =	ssyncadd.s32 $0xFFFF3800  }
0x33: {  	[hbm4b:s7+s3] =	stream.linear.scatter [tilespmem:s18], [sflag:$0x5], $0xC800, $0x38;
	[tilespmem:$0x196A0] =	vst v63  }
0x34: {  	_ = 	snop  }
0x35: {  	[tilespmem:s14], [sflag:$0x1] =	stream.linear.gather [hbm4b:s8+s3], $0x190, $0x38;
	[tilespmem:$0x196A0] =	vst v63  }
0x36: {  	_ =	swait.ge [sflag:s20], $0x190  }
0x37: {  	[sflag:s20] =	ssyncset.done $0x0  }
0x38: {  	[sflag:s20] =	ssyncadd.s32 $0xFFFFFE70  }
0x39: {  	[tilespmem:s21], [sflag:$0x4] =	stream.indirect.gather [spmem:s2], $0x80, s15, s17, $0xb8;
	[tilespmem:$0x196A0] =	vst v63  }
0x3a: {  	_ =	swait.ge [sflag:s22], $0xC800  }
0x3b: {  	[sflag:s22] =	ssyncset.done $0x0  }
0x3c: {  	[sflag:s22] =	ssyncadd.s32 $0xFFFF3800  }
0x3d: {  	[hbm4b:s9+s3] =	stream.linear.scatter [tilespmem:s21], [sflag:$0x6], $0xC800, $0x38;
	[tilespmem:$0x196A0] =	vst v63  }
0x3e: {  	_ = 	snop  }
0x3f: {  	[tilespmem:s15], [sflag:$0x2] =	stream.linear.gather [hbm4b:s10+s3], $0x190, $0x38;
	[tilespmem:$0x196A0] =	vst v63  }
0x40: {  	_ =	swait.ge [sflag:s16], $0x190  }
0x41: {  	[sflag:s16] =	ssyncset.done $0x0  }
0x42: {  	[sflag:s16] =	ssyncadd.s32 $0xFFFFFE70  }
0x43: {  	_ =	swait.ge [sflag:s23], $0xC800  }
0x44: {  	[sflag:s23] =	ssyncset.done $0x0  }
0x45: {  	s28 =	simm.s32 $0x0;
	s26 =	smov.u32 s12;
	[sflag:s23] =	ssyncadd.s32 $0xFFFF3800  }
0x46: {  	[tilespmem:s18], [sflag:$0x3] =	stream.indirect.gather [spmem:s2], $0x80, s14, s17, $0xb8;
	[tilespmem:$0x196A0] =	vst v63  }
.LBB2_2:
0x47: {  	_ =	swait.ge [sflag:s19], $0xC800  }
0x48: {  	[sflag:s19] =	ssyncset.done $0x0  }
0x49: {  	s29 =	sadd.s32 $0xFFFFE700, s26;
	p1 =	seq.s32 s28, $0x3138;
	[sflag:s19] =	ssyncadd.s32 $0xFFFF3800  }
0x4a: {  	[hbm4b:s29+s3] =	stream.linear.scatter [tilespmem:s18], [sflag:$0x5], $0xC800, $0x38;
	[tilespmem:$0x196A0] =	vst v63  }
0x4b: {  	s30 =	simm.s32 @!p1 $0x0;
	s31 =	simm.s32 @!p1 $0x2A0;
	s29 =	sadd.s32 @!p1 s28, s13  }
0x4c: {  	[tilespmem:s31], [sflag:$0x1] =	stream.linear.gather @!p1 [hbm4b:s29+s30], $0x190, $0x38;
	[tilespmem:$0x196A0] =	vst v63  }
0x4d: {  	_ =	swait.ge [sflag:s20], $0x190  }
0x4e: {  	[sflag:s20] =	ssyncset.done $0x0  }
0x4f: {  	[sflag:s20] =	ssyncadd.s32 $0xFFFFFE70  }
0x50: {  	_ =	swait.ge [sflag:s24], $0xC800  }
0x51: {  	[sflag:s24] =	ssyncset.done $0x0  }
0x52: {  	[sflag:s24] =	ssyncadd.s32 $0xFFFF3800  }
0x53: {  	[tilespmem:s21], [sflag:$0x4] =	stream.indirect.gather [spmem:s2], $0x80, s15, s17, $0xb8;
	[tilespmem:$0x196A0] =	vst v63  }
.Ltmp2:
0x54: {  	_ = 	snop;
	(pc) =	sbr.rel @p1 .LBB2_4-.Ltmp2, $4  }
0x55: {  	_ =	swait.ge [sflag:s22], $0xC800  }
0x56: {  	[sflag:s22] =	ssyncset.done $0x0  }
0x57: {  	[sflag:s22] =	ssyncadd.s32 $0xFFFF3800  }
0x58: {  	[hbm4b:s26+s3] =	stream.linear.scatter [tilespmem:s21], [sflag:$0x6], $0xC800, $0x38;
	[tilespmem:$0x196A0] =	vst v63  }
0x59: {  	s29 =	sadd.s32 s28, s11  }
0x5a: {  	[tilespmem:s15], [sflag:$0x2] =	stream.linear.gather [hbm4b:s29+s3], $0x190, $0x38;
	[tilespmem:$0x196A0] =	vst v63  }
0x5b: {  	_ =	swait.ge [sflag:s16], $0x190  }
0x5c: {  	[sflag:s16] =	ssyncset.done $0x0  }
.Ltmp3:
0x5d: {  	[sflag:s16] =	ssyncadd.s32 $0xFFFFFE70;
	(pc) =	sbr.rel .LBB2_2-.Ltmp3, $4  }
0x5e: {  	_ =	swait.ge [sflag:s23], $0xC800  }
0x5f: {  	[sflag:s23] =	ssyncset.done $0x0  }
0x60: {  	s28 =	sadd.s32 $0x64, s28;
	s26 =	sadd.s32 $0x3200, s26;
	[sflag:s23] =	ssyncadd.s32 $0xFFFF3800  }
0x61: {  	[tilespmem:s18], [sflag:$0x3] =	stream.indirect.gather [spmem:s2], $0x80, s14, s17, $0xb8;
	[tilespmem:$0x196A0] =	vst v63  }
.LBB2_5:
0x62: {  	_ =	sfence.sel $0x180000  }
0x63: {  	[bflag:$0x0] =	sbarrier.arrive $0xFFFF  }
0x64: {  	_ =	strace $0x90000047  }
0x65: {  	s0 =	sadd.s32 @!p0 $0x100000, s1;
	[bflag:$0x2] =	sbarrier.arrive $0xFFFF  }
0x66: {  	[sflag:s0] =	ssyncadd.tile.s32 @!p0 $0x1;
	_ =	shalt  }
.Lfunc_end2:
_tile_overlayer_lowered:
.L_overlay_start_2:
0x67: {  	(tag) =	ssettag $0x2  }
0x68: {  	s0 =	rddreg [dreg:$0x0];
	s2 =	stileid.u32  }
0x69: {  	s1 =	rddreg [dreg:$0x1];
	p0 =	sne.s32 s2, $0x0  }
0x6a: {  	s3 =	rddreg [dreg:$0x2];
	[bflag:$0x3] =	sbarrier.arrive $0xFFFF;
	s2 =	simm.s32 @!p0 $0x1C07  }
0x6b: {  	[timem:s3], [sflag:s2] =	dma.local @!p0 [hbm:s0], s1  }
0x6c: {  	s0 =	simm.s32 @!p0 $0x7  }
0x6d: {  	_ =	swait.ge @!p0 [sflag:s0], s1  }
0x6e: {  	s1 =	ssub.s32 @!p0 $0x0, s1;
	[sflag:s0] =	ssyncset.done @!p0 $0x0  }
0x6f: {  	[sflag:s0] =	ssyncadd.s32 @!p0 s1  }
0x70: {  	[bflag:$0x3] =	sbarrier.arrive $0xFFFF  }
0x71: {  	_ =	shalt  }

</sc_bundles>
